<compile_context>
chip_gen: v7x
topology: tpu7x:2x2x1
jax: 0.10.2.dev20260603
libtpu: 0.0.44.dev20260713+nightly
codegen_flags: <defaults>
</compile_context>

<pallas_src>
import functools

import jax
import jax.numpy as jnp
from jax import lax
from jax.experimental import pallas as pl
from jax.experimental.pallas import tpu as pltpu
from jax.experimental.pallas import tpu_sc as plsc

_NC = 2
_NS = 16
_NW = _NC * _NS


def kernel(x, layer_id, tables):
    n_layers, vocab, d = tables.shape
    b, s = x.shape
    n = b * s
    b_per_w = n // _NW
    sub_per_row = s // b_per_w
    flat_tables = tables.reshape(n_layers * vocab, d)
    lid = jnp.asarray(layer_id, jnp.int32).reshape(1)

    mesh = plsc.VectorSubcoreMesh(core_axis_name="c", subcore_axis_name="s")

    @functools.partial(
        pl.kernel,
        mesh=mesh,
        out_type=jax.ShapeDtypeStruct((n, d), tables.dtype),
        scratch_types=[
            pltpu.VMEM((b_per_w,), jnp.int32),
            pltpu.VMEM((16,), jnp.int32),
            pltpu.VMEM((b_per_w, d), jnp.float32),
            pltpu.SemaphoreType.DMA,
            pltpu.SemaphoreType.DMA,
            pltpu.SemaphoreType.DMA,
            pltpu.SemaphoreType.DMA,
        ],
    )
    def gather_kernel(table_hbm, x_hbm, lid_hbm, out_hbm,
                      idx_v, lid_v, rows_v, sem_a, sem_b, sem_c, sem_d):
        wid = lax.axis_index("s") * _NC + lax.axis_index("c")
        row = wid // sub_per_row
        col = (wid % sub_per_row) * b_per_w
        half = b_per_w // 2
        obase = wid * b_per_w
        c_lid = pltpu.async_copy(lid_hbm, lid_v.at[pl.ds(0, 1)], sem_a)
        c_idx = pltpu.async_copy(x_hbm.at[row].at[pl.ds(col, b_per_w)],
                                 idx_v, sem_b)
        c_lid.wait()
        c_idx.wait()
        base = lid_v[...][0] * vocab
        view = table_hbm.at[pl.ds(base, vocab)]
        g0 = pltpu.async_copy(view.at[idx_v.at[pl.ds(0, half)]],
                              rows_v.at[pl.ds(0, half)], sem_a)
        g1 = pltpu.async_copy(view.at[idx_v.at[pl.ds(half, half)]],
                              rows_v.at[pl.ds(half, half)], sem_b)
        g0.wait()
        s0 = pltpu.async_copy(rows_v.at[pl.ds(0, half)],
                              out_hbm.at[pl.ds(obase, half)], sem_c)
        g1.wait()
        s1 = pltpu.async_copy(rows_v.at[pl.ds(half, half)],
                              out_hbm.at[pl.ds(obase + half, half)], sem_d)
        s0.wait()
        s1.wait()

    out = gather_kernel(flat_tables, x, lid)
    return out.reshape(b, s, d)

# --- scband reference (transcript-rebuilt; emitter-appended) ---
"""Pipeline reference for scband-token-embedding-layers-66632122630233 (READ-ONLY COPY).

The authoritative reference and input builder live on the scoring server;
editing this copy changes nothing except your own understanding.
"""

import jax, jax.numpy as jnp
import numpy as np

N_LAYERS = 4
VOCAB = 100000
EMBED_DIM = 128
B = 4
S = 4096


def setup_inputs(seed: int = 0) -> dict:
    key = jax.random.key(seed)
    k1, k2 = jax.random.split(key)
    x = jax.random.randint(k1, (B, S), 0, VOCAB, dtype=jnp.int32)
    layer_id = 2  # scalar layer selector, < N_LAYERS
    tables = jax.random.normal(k2, (N_LAYERS, VOCAB, EMBED_DIM), dtype=jnp.float32) * 0.02
    return {"x": x, "layer_id": layer_id, "tables": tables}


def reference(x, layer_id, tables):
    # The original module delegates to an ONNX graph that, given token ids x and a
    # layer_id, returns the embeddings for that layer: y = tables[layer_id][x].
    table = jnp.take(tables, layer_id, axis=0)          # [VOCAB, EMBED_DIM]
    y = jnp.take(table, x, axis=0)                      # [B, S, EMBED_DIM]
    return y

if __name__ == "__main__":
    import jax
    _d = setup_inputs()
    print(jax.jit(kernel)(*tuple(_d.values())))

</pallas_src>

<mosaic_0001>
#map = affine_map<(d0, d1) -> (0, 0)>
#map1 = affine_map<(d0, d1) -> (0)>
module attributes {stable_mosaic.version = 14 : i64} {
  func.func @gather_kernel(%arg0: i32, %arg1: i32, %arg2: memref<400000x128xf32, #tpu.memory_space<hbm>>, %arg3: memref<4x4096xi32, #tpu.memory_space<hbm>>, %arg4: memref<1xi32, #tpu.memory_space<hbm>>, %arg5: memref<16384x128xf32, #tpu.memory_space<hbm>>, %arg6: memref<512xi32, #tpu.memory_space<vmem>>, %arg7: memref<16xi32, #tpu.memory_space<vmem>>, %arg8: memref<512x128xf32, #tpu.memory_space<vmem>>, %arg9: memref<!tpu.dma_semaphore, #tpu.memory_space<semaphore_mem>>, %arg10: memref<!tpu.dma_semaphore, #tpu.memory_space<semaphore_mem>>, %arg11: memref<!tpu.dma_semaphore, #tpu.memory_space<semaphore_mem>>, %arg12: memref<!tpu.dma_semaphore, #tpu.memory_space<semaphore_mem>>) attributes {dimension_semantics = [#tpu.dimension_semantics<core_parallel>, #tpu.dimension_semantics<subcore_parallel>], iteration_bounds = array<i64: 2, 16>, scalar_prefetch = 0 : i64, scratch_operands = 7 : i64, tpu.core_type = #tpu.core_type<sc_vector_subcore>, window_params = [{transform_indices = #map}, {transform_indices = #map}, {transform_indices = #map1}, {transform_indices = #map}]} {
    %mul3A = arith.constant 2 : i32
    %mul3A_0 = arith.muli %arg1, %mul3A : i32
    %add3A = arith.addi %mul3A_0, %arg0 : i32
    %jit3A = arith.constant 8 : i32
    %div3A = arith.divsi %add3A, %jit3A : i32
    %sign3A = arith.constant 0 : i32
    %sign3A_1 = arith.cmpi sgt, %add3A, %sign3A : i32
    %sign3A_2 = arith.extui %sign3A_1 : i1 to i32
    %sign3A_3 = arith.constant 0 : i32
    %sign3A_4 = arith.cmpi slt, %add3A, %sign3A_3 : i32
    %sign3A_5 = arith.extui %sign3A_4 : i1 to i32
    %sign3A_6 = arith.subi %sign3A_2, %sign3A_5 : i32
    %sign3A_7 = arith.constant 0 : i32
    %sign3A_8 = arith.cmpi sgt, %jit3A, %sign3A_7 : i32
    %sign3A_9 = arith.extui %sign3A_8 : i1 to i32
    %sign3A_10 = arith.constant 0 : i32
    %sign3A_11 = arith.cmpi slt, %jit3A, %sign3A_10 : i32
    %sign3A_12 = arith.extui %sign3A_11 : i1 to i32
    %sign3A_13 = arith.subi %sign3A_9, %sign3A_12 : i32
    %ne3A = arith.cmpi ne, %sign3A_6, %sign3A_13 : i32
    %rem3A = arith.remsi %add3A, %jit3A : i32
    %ne3A_14 = arith.constant 0 : i32
    %ne3A_15 = arith.cmpi ne, %rem3A, %ne3A_14 : i32
    %and3A = arith.andi %ne3A, %ne3A_15 : i1
    %sub3A = arith.constant 1 : i32
    %sub3A_16 = arith.subi %div3A, %sub3A : i32
    %select_n3A = arith.select %and3A, %sub3A_16, %div3A : i32
    %jit3A_17 = arith.constant 8 : i32
    %eq3A = arith.constant 0 : i32
    %eq3A_18 = arith.cmpi eq, %jit3A_17, %eq3A : i32
    %jit3A_19 = arith.constant 1 : i32
    %select_n3A_20 = arith.select %eq3A_18, %jit3A_19, %jit3A_17 : i32
    %rem3A_21 = arith.remsi %add3A, %select_n3A_20 : i32
    %ne3A_22 = arith.constant 0 : i32
    %ne3A_23 = arith.cmpi ne, %rem3A_21, %ne3A_22 : i32
    %lt3A = arith.constant 0 : i32
    %lt3A_24 = arith.cmpi slt, %rem3A_21, %lt3A : i32
    %lt3A_25 = arith.constant 0 : i32
    %lt3A_26 = arith.cmpi slt, %select_n3A_20, %lt3A_25 : i32
    %ne3A_27 = arith.xori %lt3A_24, %lt3A_26 : i1
    %and3A_28 = arith.andi %ne3A_27, %ne3A_23 : i1
    %add3A_29 = arith.addi %rem3A_21, %select_n3A_20 : i32
    %select_n3A_30 = arith.select %and3A_28, %add3A_29, %rem3A_21 : i32
    %mul3A_31 = arith.constant 512 : i32
    %mul3A_32 = arith.muli %select_n3A_30, %mul3A_31 : i32
    %mul3A_33 = arith.constant 512 : i32
    %mul3A_34 = arith.muli %add3A, %mul3A_33 : i32
    %dma_start3A = arith.constant 0 : i32
    %dma_start3A_35 = tpu.memref_slice %arg7[%dma_start3A] : memref<16xi32, #tpu.memory_space<vmem>> -> memref<1xi32, #tpu.memory_space<vmem>>
    %dma_start3A_36 = arith.constant 0 : i32
    %dma_start3A_37 = tpu.memref_slice %arg7[%dma_start3A_36] : memref<16xi32, #tpu.memory_space<vmem>> -> memref<1xi32, #tpu.memory_space<vmem>>
    tpu.enqueue_dma source(%arg4 : memref<1xi32, #tpu.memory_space<hbm>>) target(%dma_start3A_37 : memref<1xi32, #tpu.memory_space<vmem>>) target_semaphore(%arg9 : memref<!tpu.dma_semaphore, #tpu.memory_space<semaphore_mem>>)
    %dma_start3A_38 = arith.constant 0 : i32
    %dma_start3A_39 = tpu.memref_slice %arg3[%select_n3A, %dma_start3A_38] : memref<4x4096xi32, #tpu.memory_space<hbm>> -> memref<1x4096xi32, #tpu.memory_space<hbm>>
    %dma_start3A_40 = tpu.memref_squeeze %dma_start3A_39 : memref<1x4096xi32, #tpu.memory_space<hbm>> -> memref<4096xi32, #tpu.memory_space<hbm>>
    %dma_start3A_41 = tpu.memref_slice %dma_start3A_40[%mul3A_32] : memref<4096xi32, #tpu.memory_space<hbm>> -> memref<512xi32, #tpu.memory_space<hbm>>
    %dma_start3A_42 = arith.constant 0 : i32
    %dma_start3A_43 = tpu.memref_slice %arg3[%select_n3A, %dma_start3A_42] : memref<4x4096xi32, #tpu.memory_space<hbm>> -> memref<1x4096xi32, #tpu.memory_space<hbm>>
    %dma_start3A_44 = tpu.memref_squeeze %dma_start3A_43 : memref<1x4096xi32, #tpu.memory_space<hbm>> -> memref<4096xi32, #tpu.memory_space<hbm>>
    %dma_start3A_45 = tpu.memref_slice %dma_start3A_44[%mul3A_32] : memref<4096xi32, #tpu.memory_space<hbm>> -> memref<512xi32, #tpu.memory_space<hbm>>
    tpu.enqueue_dma source(%dma_start3A_45 : memref<512xi32, #tpu.memory_space<hbm>>) target(%arg6 : memref<512xi32, #tpu.memory_space<vmem>>) target_semaphore(%arg10 : memref<!tpu.dma_semaphore, #tpu.memory_space<semaphore_mem>>)
    %dma_wait3A = arith.constant 0 : i32
    %dma_wait3A_46 = tpu.memref_slice %arg7[%dma_wait3A] : memref<16xi32, #tpu.memory_space<vmem>> -> memref<1xi32, #tpu.memory_space<vmem>>
    %dma_wait3A_47 = arith.constant 0 : i32
    %dma_wait3A_48 = tpu.memref_slice %arg7[%dma_wait3A_47] : memref<16xi32, #tpu.memory_space<vmem>> -> memref<1xi32, #tpu.memory_space<vmem>>
    tpu.wait_dma2 semaphore(%arg9 : memref<!tpu.dma_semaphore, #tpu.memory_space<semaphore_mem>>) src(%arg4 : memref<1xi32, #tpu.memory_space<hbm>>) dst(%dma_wait3A_48 : memref<1xi32, #tpu.memory_space<vmem>>)
    %dma_wait3A_49 = arith.constant 0 : i32
    %dma_wait3A_50 = tpu.memref_slice %arg3[%select_n3A, %dma_wait3A_49] : memref<4x4096xi32, #tpu.memory_space<hbm>> -> memref<1x4096xi32, #tpu.memory_space<hbm>>
    %dma_wait3A_51 = tpu.memref_squeeze %dma_wait3A_50 : memref<1x4096xi32, #tpu.memory_space<hbm>> -> memref<4096xi32, #tpu.memory_space<hbm>>
    %dma_wait3A_52 = tpu.memref_slice %dma_wait3A_51[%mul3A_32] : memref<4096xi32, #tpu.memory_space<hbm>> -> memref<512xi32, #tpu.memory_space<hbm>>
    %dma_wait3A_53 = arith.constant 0 : i32
    %dma_wait3A_54 = tpu.memref_slice %arg3[%select_n3A, %dma_wait3A_53] : memref<4x4096xi32, #tpu.memory_space<hbm>> -> memref<1x4096xi32, #tpu.memory_space<hbm>>
    %dma_wait3A_55 = tpu.memref_squeeze %dma_wait3A_54 : memref<1x4096xi32, #tpu.memory_space<hbm>> -> memref<4096xi32, #tpu.memory_space<hbm>>
    %dma_wait3A_56 = tpu.memref_slice %dma_wait3A_55[%mul3A_32] : memref<4096xi32, #tpu.memory_space<hbm>> -> memref<512xi32, #tpu.memory_space<hbm>>
    tpu.wait_dma2 semaphore(%arg10 : memref<!tpu.dma_semaphore, #tpu.memory_space<semaphore_mem>>) src(%dma_wait3A_56 : memref<512xi32, #tpu.memory_space<hbm>>) dst(%arg6 : memref<512xi32, #tpu.memory_space<vmem>>)
    %get3A = arith.constant 0 : index
    %get3A_57 = tpu.vector_load %arg7[%get3A] {strides = array<i32>} : memref<16xi32, #tpu.memory_space<vmem>>, vector<16xi32>,
    %get3A_58 = vector.shape_cast %get3A_57 : vector<16xi32> to vector<16xi32>
    %slice3A = vector.extract_strided_slice %get3A_58 {offsets = [0], sizes = [1], strides = [1]} : vector<16xi32> to vector<1xi32>
    %squeeze3A = vector.extract %slice3A[0] : i32 from vector<1xi32>
    %mul3A_59 = arith.constant 100000 : i32
    %mul3A_60 = arith.muli %squeeze3A, %mul3A_59 : i32
    %dma_start3A_61 = arith.constant 0 : i32
    %dma_start3A_62 = arith.constant 0 : i32
    %dma_start3A_63 = tpu.memref_slice %arg8[%dma_start3A_61, %dma_start3A_62] : memref<512x128xf32, #tpu.memory_space<vmem>> -> memref<256x128xf32, #tpu.memory_space<vmem>>
    %dma_start3A_64 = arith.constant 0 : i32
    %dma_start3A_65 = tpu.memref_slice %arg6[%dma_start3A_64] : memref<512xi32, #tpu.memory_space<vmem>> -> memref<256xi32, #tpu.memory_space<vmem>>
    %dma_start3A_66 = arith.constant 0 : i32
    %dma_start3A_67 = tpu.memref_slice %arg2[%mul3A_60, %dma_start3A_66] : memref<400000x128xf32, #tpu.memory_space<hbm>> -> memref<100000x128xf32, #tpu.memory_space<hbm>>
    %dma_start3A_68 = arith.constant 0 : i32
    %dma_start3A_69 = arith.constant 0 : i32
    %dma_start3A_70 = tpu.memref_slice %dma_start3A_67[%dma_start3A_68, %dma_start3A_69] : memref<100000x128xf32, #tpu.memory_space<hbm>> -> memref<100000x128xf32, #tpu.memory_space<hbm>>
    tpu.enqueue_indirect_dma source(%dma_start3A_70 : memref<100000x128xf32, #tpu.memory_space<hbm>>) target(%dma_start3A_63 : memref<256x128xf32, #tpu.memory_space<vmem>>) offsets(%dma_start3A_65 : memref<256xi32, #tpu.memory_space<vmem>>) semaphore(%arg9 : memref<!tpu.dma_semaphore, #tpu.memory_space<semaphore_mem>>)
    %dma_start3A_71 = arith.constant 256 : i32
    %dma_start3A_72 = arith.constant 0 : i32
    %dma_start3A_73 = tpu.memref_slice %arg8[%dma_start3A_71, %dma_start3A_72] : memref<512x128xf32, #tpu.memory_space<vmem>> -> memref<256x128xf32, #tpu.memory_space<vmem>>
    %dma_start3A_74 = arith.constant 256 : i32
    %dma_start3A_75 = tpu.memref_slice %arg6[%dma_start3A_74] : memref<512xi32, #tpu.memory_space<vmem>> -> memref<256xi32, #tpu.memory_space<vmem>>
    %dma_start3A_76 = arith.constant 0 : i32
    %dma_start3A_77 = tpu.memref_slice %arg2[%mul3A_60, %dma_start3A_76] : memref<400000x128xf32, #tpu.memory_space<hbm>> -> memref<100000x128xf32, #tpu.memory_space<hbm>>
    %dma_start3A_78 = arith.constant 0 : i32
    %dma_start3A_79 = arith.constant 0 : i32
    %dma_start3A_80 = tpu.memref_slice %dma_start3A_77[%dma_start3A_78, %dma_start3A_79] : memref<100000x128xf32, #tpu.memory_space<hbm>> -> memref<100000x128xf32, #tpu.memory_space<hbm>>
    tpu.enqueue_indirect_dma source(%dma_start3A_80 : memref<100000x128xf32, #tpu.memory_space<hbm>>) target(%dma_start3A_73 : memref<256x128xf32, #tpu.memory_space<vmem>>) offsets(%dma_start3A_75 : memref<256xi32, #tpu.memory_space<vmem>>) semaphore(%arg10 : memref<!tpu.dma_semaphore, #tpu.memory_space<semaphore_mem>>)
    %dma_wait3A_81 = arith.constant 0 : i32
    %dma_wait3A_82 = arith.constant 0 : i32
    %dma_wait3A_83 = tpu.memref_slice %arg8[%dma_wait3A_81, %dma_wait3A_82] : memref<512x128xf32, #tpu.memory_space<vmem>> -> memref<256x128xf32, #tpu.memory_space<vmem>>
    %dma_wait3A_84 = arith.constant 0 : i32
    %dma_wait3A_85 = tpu.memref_slice %arg6[%dma_wait3A_84] : memref<512xi32, #tpu.memory_space<vmem>> -> memref<256xi32, #tpu.memory_space<vmem>>
    %dma_wait3A_86 = arith.constant 0 : i32
    %dma_wait3A_87 = tpu.memref_slice %arg2[%mul3A_60, %dma_wait3A_86] : memref<400000x128xf32, #tpu.memory_space<hbm>> -> memref<100000x128xf32, #tpu.memory_space<hbm>>
    %dma_wait3A_88 = arith.constant 0 : i32
    %dma_wait3A_89 = arith.constant 0 : i32
    %dma_wait3A_90 = tpu.memref_slice %dma_wait3A_87[%dma_wait3A_88, %dma_wait3A_89] : memref<100000x128xf32, #tpu.memory_space<hbm>> -> memref<100000x128xf32, #tpu.memory_space<hbm>>
    tpu.wait_indirect_dma semaphore(%arg9 : memref<!tpu.dma_semaphore, #tpu.memory_space<semaphore_mem>>) src(%dma_wait3A_90 : memref<100000x128xf32, #tpu.memory_space<hbm>>) dst(%dma_wait3A_83 : memref<256x128xf32, #tpu.memory_space<vmem>>)
    %dma_start3A_91 = arith.constant 0 : i32
    %dma_start3A_92 = arith.constant 0 : i32
    %dma_start3A_93 = tpu.memref_slice %arg8[%dma_start3A_91, %dma_start3A_92] : memref<512x128xf32, #tpu.memory_space<vmem>> -> memref<256x128xf32, #tpu.memory_space<vmem>>
    %dma_start3A_94 = arith.constant 0 : i32
    %dma_start3A_95 = tpu.memref_slice %arg5[%mul3A_34, %dma_start3A_94] : memref<16384x128xf32, #tpu.memory_space<hbm>> -> memref<256x128xf32, #tpu.memory_space<hbm>>
    %dma_start3A_96 = arith.constant 0 : i32
    %dma_start3A_97 = tpu.memref_slice %arg5[%mul3A_34, %dma_start3A_96] : memref<16384x128xf32, #tpu.memory_space<hbm>> -> memref<256x128xf32, #tpu.memory_space<hbm>>
    %dma_start3A_98 = arith.constant 0 : i32
    %dma_start3A_99 = arith.constant 0 : i32
    %dma_start3A_100 = tpu.memref_slice %arg8[%dma_start3A_98, %dma_start3A_99] : memref<512x128xf32, #tpu.memory_space<vmem>> -> memref<256x128xf32, #tpu.memory_space<vmem>>
    tpu.enqueue_dma source(%dma_start3A_100 : memref<256x128xf32, #tpu.memory_space<vmem>>) target(%dma_start3A_97 : memref<256x128xf32, #tpu.memory_space<hbm>>) target_semaphore(%arg11 : memref<!tpu.dma_semaphore, #tpu.memory_space<semaphore_mem>>)
    %dma_wait3A_101 = arith.constant 256 : i32
    %dma_wait3A_102 = arith.constant 0 : i32
    %dma_wait3A_103 = tpu.memref_slice %arg8[%dma_wait3A_101, %dma_wait3A_102] : memref<512x128xf32, #tpu.memory_space<vmem>> -> memref<256x128xf32, #tpu.memory_space<vmem>>
    %dma_wait3A_104 = arith.constant 256 : i32
    %dma_wait3A_105 = tpu.memref_slice %arg6[%dma_wait3A_104] : memref<512xi32, #tpu.memory_space<vmem>> -> memref<256xi32, #tpu.memory_space<vmem>>
    %dma_wait3A_106 = arith.constant 0 : i32
    %dma_wait3A_107 = tpu.memref_slice %arg2[%mul3A_60, %dma_wait3A_106] : memref<400000x128xf32, #tpu.memory_space<hbm>> -> memref<100000x128xf32, #tpu.memory_space<hbm>>
    %dma_wait3A_108 = arith.constant 0 : i32
    %dma_wait3A_109 = arith.constant 0 : i32
    %dma_wait3A_110 = tpu.memref_slice %dma_wait3A_107[%dma_wait3A_108, %dma_wait3A_109] : memref<100000x128xf32, #tpu.memory_space<hbm>> -> memref<100000x128xf32, #tpu.memory_space<hbm>>
    tpu.wait_indirect_dma semaphore(%arg10 : memref<!tpu.dma_semaphore, #tpu.memory_space<semaphore_mem>>) src(%dma_wait3A_110 : memref<100000x128xf32, #tpu.memory_space<hbm>>) dst(%dma_wait3A_103 : memref<256x128xf32, #tpu.memory_space<vmem>>)
    %add3A_111 = arith.constant 256 : i32
    %add3A_112 = arith.addi %mul3A_34, %add3A_111 : i32
    %dma_start3A_113 = arith.constant 256 : i32
    %dma_start3A_114 = arith.constant 0 : i32
    %dma_start3A_115 = tpu.memref_slice %arg8[%dma_start3A_113, %dma_start3A_114] : memref<512x128xf32, #tpu.memory_space<vmem>> -> memref<256x128xf32, #tpu.memory_space<vmem>>
    %dma_start3A_116 = arith.constant 0 : i32
    %dma_start3A_117 = tpu.memref_slice %arg5[%add3A_112, %dma_start3A_116] : memref<16384x128xf32, #tpu.memory_space<hbm>> -> memref<256x128xf32, #tpu.memory_space<hbm>>
    %dma_start3A_118 = arith.constant 0 : i32
    %dma_start3A_119 = tpu.memref_slice %arg5[%add3A_112, %dma_start3A_118] : memref<16384x128xf32, #tpu.memory_space<hbm>> -> memref<256x128xf32, #tpu.memory_space<hbm>>
    %dma_start3A_120 = arith.constant 256 : i32
    %dma_start3A_121 = arith.constant 0 : i32
    %dma_start3A_122 = tpu.memref_slice %arg8[%dma_start3A_120, %dma_start3A_121] : memref<512x128xf32, #tpu.memory_space<vmem>> -> memref<256x128xf32, #tpu.memory_space<vmem>>
    tpu.enqueue_dma source(%dma_start3A_122 : memref<256x128xf32, #tpu.memory_space<vmem>>) target(%dma_start3A_119 : memref<256x128xf32, #tpu.memory_space<hbm>>) target_semaphore(%arg12 : memref<!tpu.dma_semaphore, #tpu.memory_space<semaphore_mem>>)
    %dma_wait3A_123 = arith.constant 0 : i32
    %dma_wait3A_124 = arith.constant 0 : i32
    %dma_wait3A_125 = tpu.memref_slice %arg8[%dma_wait3A_123, %dma_wait3A_124] : memref<512x128xf32, #tpu.memory_space<vmem>> -> memref<256x128xf32, #tpu.memory_space<vmem>>
    %dma_wait3A_126 = arith.constant 0 : i32
    %dma_wait3A_127 = tpu.memref_slice %arg5[%mul3A_34, %dma_wait3A_126] : memref<16384x128xf32, #tpu.memory_space<hbm>> -> memref<256x128xf32, #tpu.memory_space<hbm>>
    %dma_wait3A_128 = arith.constant 0 : i32
    %dma_wait3A_129 = tpu.memref_slice %arg5[%mul3A_34, %dma_wait3A_128] : memref<16384x128xf32, #tpu.memory_space<hbm>> -> memref<256x128xf32, #tpu.memory_space<hbm>>
    %dma_wait3A_130 = arith.constant 0 : i32
    %dma_wait3A_131 = arith.constant 0 : i32
    %dma_wait3A_132 = tpu.memref_slice %arg8[%dma_wait3A_130, %dma_wait3A_131] : memref<512x128xf32, #tpu.memory_space<vmem>> -> memref<256x128xf32, #tpu.memory_space<vmem>>
    tpu.wait_dma2 semaphore(%arg11 : memref<!tpu.dma_semaphore, #tpu.memory_space<semaphore_mem>>) src(%dma_wait3A_132 : memref<256x128xf32, #tpu.memory_space<vmem>>) dst(%dma_wait3A_129 : memref<256x128xf32, #tpu.memory_space<hbm>>)
    %dma_wait3A_133 = arith.constant 256 : i32
    %dma_wait3A_134 = arith.constant 0 : i32
    %dma_wait3A_135 = tpu.memref_slice %arg8[%dma_wait3A_133, %dma_wait3A_134] : memref<512x128xf32, #tpu.memory_space<vmem>> -> memref<256x128xf32, #tpu.memory_space<vmem>>
    %dma_wait3A_136 = arith.constant 0 : i32
    %dma_wait3A_137 = tpu.memref_slice %arg5[%add3A_112, %dma_wait3A_136] : memref<16384x128xf32, #tpu.memory_space<hbm>> -> memref<256x128xf32, #tpu.memory_space<hbm>>
    %dma_wait3A_138 = arith.constant 0 : i32
    %dma_wait3A_139 = tpu.memref_slice %arg5[%add3A_112, %dma_wait3A_138] : memref<16384x128xf32, #tpu.memory_space<hbm>> -> memref<256x128xf32, #tpu.memory_space<hbm>>
    %dma_wait3A_140 = arith.constant 256 : i32
    %dma_wait3A_141 = arith.constant 0 : i32
    %dma_wait3A_142 = tpu.memref_slice %arg8[%dma_wait3A_140, %dma_wait3A_141] : memref<512x128xf32, #tpu.memory_space<vmem>> -> memref<256x128xf32, #tpu.memory_space<vmem>>
    tpu.wait_dma2 semaphore(%arg12 : memref<!tpu.dma_semaphore, #tpu.memory_space<semaphore_mem>>) src(%dma_wait3A_142 : memref<256x128xf32, #tpu.memory_space<vmem>>) dst(%dma_wait3A_139 : memref<256x128xf32, #tpu.memory_space<hbm>>)
    return
  }
}

</mosaic_0001>

<sc_bundles>
// kernel: kernel.3.cloned.1.call-start
scs
__scs_entry_jumppad:
0x0: {  	(pc) =	sbr.rel $0x88, $3  }
0x1: {  	(tag) =	ssettag $0x0;
	lr =	simm.s32 $0x1  }
0x2: {  	[smem:$0x3F9E] =	sst lr;
	_ =	strace $0xD0000000  }
0x3: {  	_ = 	snop  }
0x4: {  	_ = 	snop  }
0x5: {  	_ = 	snop  }
0x6: {  	_ = 	snop  }
0x7: {  	_ = 	snop  }
__scs_overlays_trampoline_lowered:
0x8: {  	[smem:$0x3FAD] =	sst s0  }
0x9: {  	[smem:$0x3FAE] =	sst s1  }
0xa: {  	[smem:$0x3FAF] =	sst s2  }
0xb: {  	[smem:$0x3FB0] =	sst s3  }
0xc: {  	[smem:$0x3FB1] =	sst s4  }
0xd: {  	[smem:$0x3FB2] =	sst s5  }
0xe: {  	[smem:$0x3FB3] =	sst s6  }
0xf: {  	[smem:$0x3FB4] =	sst s7  }
0x10: {  	[smem:$0x3FB5] =	sst s8  }
0x11: {  	[smem:$0x3FB6] =	sst s9;
	s0 =	simm.s32 @!p0 $0x0  }
0x12: {  	s1 =	sld [smem:$0x3F9C];
	s0 =	simm.s32 @p0 $0x1  }
0x13: {  	[smem:$0x3FB7] =	sst s0;
	s0 =	simm.s32 @!p1 $0x0  }
0x14: {  	s2 =	sld [smem:$0x3F9B];
	s0 =	simm.s32 @p1 $0x1  }
0x15: {  	[smem:$0x3FB8] =	sst s0;
	s0 =	simm.s32 @!p2 $0x0  }
0x16: {  	s3 =	sld [smem:$0x3FDB];
	s0 =	simm.s32 @p2 $0x1  }
0x17: {  	s4 =	simm.s32 $0x1BF5;
	[smem:$0x3FBA] =	sst s0  }
0x18: {  	s0 =	sld [smem:$0x3F9D];
	_ =	swait.ge [sflag:s4], $0x0  }
0x19: {  	s7 =	sld [smem:$0x3F9E]  }
0x1a: {  	s8 =	sadd.s32 $0xFFFFE003, lr  }
0x1b: {  	s9 =	sadd.s32 $0xFFFFFEF7, lr;
	s5 =	simm.s32 $0xFFFFFFFF;
	p2 =	slt.u32 s8, $0xFFFFF086  }
0x1c: {  	p1 =	slt.u32 s9, $0xF7A;
	s5 =	simm.s32 @!p2 $0x0  }
0x1d: {  	s5 =	simm.s32 @p1 $0x1;
	p0 =	seq.s32 s7, s2  }
0x1e: {  	s7 =	smul.u32 @!p0 $0xF7A, s2;
	p2 =	seq.s32 @!p0 s5, $0x0  }
0x1f: {  	s9 =	smul.u32 $0xF7A, s1;
	s8 =	simm.s32 @!p0 $0x1BF5;
	p2 =	por !p2, p0  }
0x20: {  	[sflag:s8] =	ssyncset.s32 @!p0 $0xFFFFF086;
	s6 =	sadd.s32 @!p0 s3, s7;
	s7 =	simm.s32 @!p0 $0x108  }
0x21: {  	s3 =	sadd.s32 s3, s9;
	s6 =	sadd.s32 @!p0 $0x88, s6;
	s7 =	simm.s32 @p2 $0x1082  }
0x22: {  	[simem:s7], [sflag:s8] =	dma.local @!p0 [hbm:s6], $0xF7A  }
0x23: {  	s9 =	sor.u32 $0xD0000000, s2;
	s6 =	simm.s32 $0x108;
	_ =	swait.ge @!p0 [sflag:s8], $0x0  }
0x24: {  	s3 =	sadd.s32 $0x88, s3;
	s6 =	simm.s32 @!p1 $0x1082;
	[sflag:s4] =	ssyncset.s32 $0xFFFFF086  }
0x25: {  	[simem:s6], [sflag:s4] =	dma.local [hbm:s3], $0xF7A  }
0x26: {  	[smem:$0x3F9E] =	sst s1;
	(tag) =	ssettag s2;
	_ =	strace s9  }
0x27: {  	s1 =	sld [smem:$0x3FAE]  }
0x28: {  	s2 =	sld [smem:$0x3FAF]  }
0x29: {  	s4 =	sld [smem:$0x3FB1]  }
0x2a: {  	p0 =	seq.s32 s5, $0x0;
	s5 =	sld [smem:$0x3FB2]  }
0x2b: {  	s6 =	sld [smem:$0x3FB3]  }
0x2c: {  	s7 =	sld [smem:$0x3FB4]  }
0x2d: {  	s3 =	simm.s32 $0x108;
	s8 =	sld [smem:$0x3FB5]  }
0x2e: {  	s3 =	simm.s32 @!p0 $0x1082;
	s9 =	sld [smem:$0x3FB6]  }
0x2f: {  	lr =	sadd.s32 s0, s3;
	s0 =	sld [smem:$0x3FAD]  }
0x30: {  	s3 =	sld [smem:$0x3FB0]  }
0x31: {  	[smem:$0x3FB9] =	sst s10  }
0x32: {  	s10 =	sld [smem:$0x3FB7];
	_ =	sdelay $0x3  }
0x33: {  	p0 =	seq.s32 s10, $0x1;
	s10 =	sld [smem:$0x3FB9];
	_ =	sdelay $0x3  }
0x34: {  	[smem:$0x3FB9] =	sst s10  }
0x35: {  	s10 =	sld [smem:$0x3FB8];
	_ =	sdelay $0x3  }
0x36: {  	p1 =	seq.s32 s10, $0x1;
	s10 =	sld [smem:$0x3FB9];
	_ =	sdelay $0x3  }
0x37: {  	[smem:$0x3FB9] =	sst s10  }
0x38: {  	s10 =	sld [smem:$0x3FBA]  }
0x39: {  	_ = 	snop;
	(pc) =	sbr.ind lr, $3  }
0x3a: {  	_ = 	snop  }
0x3b: {  	_ = 	snop  }
0x3c: {  	p2 =	seq.s32 s10, $0x1;
	s10 =	sld [smem:$0x3FB9]  }
0x3d: {  	_ =	shalt  }
0x3e: {  	_ =	shalt  }
0x3f: {  	_ =	shalt  }
0x40: {  	_ =	shalt  }
0x41: {  	_ =	shalt  }
0x42: {  	_ =	shalt  }
0x43: {  	_ =	shalt  }
0x44: {  	_ =	shalt  }
0x45: {  	_ =	shalt  }
0x46: {  	_ =	shalt  }
0x47: {  	_ =	shalt  }
0x48: {  	_ =	shalt  }
0x49: {  	_ =	shalt  }
0x4a: {  	_ =	shalt  }
0x4b: {  	_ =	shalt  }
0x4c: {  	_ =	shalt  }
0x4d: {  	_ =	shalt  }
0x4e: {  	_ =	shalt  }
0x4f: {  	_ =	shalt  }
0x50: {  	_ =	shalt  }
0x51: {  	_ =	shalt  }
0x52: {  	_ =	shalt  }
0x53: {  	_ =	shalt  }
0x54: {  	_ =	shalt  }
0x55: {  	_ =	shalt  }
0x56: {  	_ =	shalt  }
0x57: {  	_ =	shalt  }
0x58: {  	_ =	shalt  }
0x59: {  	_ =	shalt  }
0x5a: {  	_ =	shalt  }
0x5b: {  	_ =	shalt  }
0x5c: {  	_ =	shalt  }
0x5d: {  	_ =	shalt  }
0x5e: {  	_ =	shalt  }
0x5f: {  	_ =	shalt  }
0x60: {  	_ =	shalt  }
0x61: {  	_ =	shalt  }
0x62: {  	_ =	shalt  }
0x63: {  	_ =	shalt  }
0x64: {  	_ =	shalt  }
0x65: {  	_ =	shalt  }
0x66: {  	_ =	shalt  }
0x67: {  	_ =	shalt  }
0x68: {  	_ =	shalt  }
0x69: {  	_ =	shalt  }
0x6a: {  	_ =	shalt  }
0x6b: {  	_ =	shalt  }
0x6c: {  	_ =	shalt  }
0x6d: {  	_ =	shalt  }
0x6e: {  	_ =	shalt  }
0x6f: {  	_ =	shalt  }
0x70: {  	_ =	shalt  }
0x71: {  	_ =	shalt  }
0x72: {  	_ =	shalt  }
0x73: {  	_ =	shalt  }
0x74: {  	_ =	shalt  }
0x75: {  	_ =	shalt  }
0x76: {  	_ =	shalt  }
0x77: {  	_ =	shalt  }
0x78: {  	_ =	shalt  }
0x79: {  	_ =	shalt  }
0x7a: {  	_ =	shalt  }
0x7b: {  	_ =	shalt  }
0x7c: {  	_ =	shalt  }
0x7d: {  	_ =	shalt  }
0x7e: {  	_ =	shalt  }
0x7f: {  	_ =	shalt  }
0x80: {  	_ =	shalt  }
0x81: {  	_ =	shalt  }
0x82: {  	_ =	shalt  }
0x83: {  	_ =	shalt  }
0x84: {  	_ =	shalt  }
0x85: {  	_ =	shalt  }
0x86: {  	_ =	shalt  }
0x87: {  	_ =	shalt  }
.Lfunc_end0:
.L_simem_size_0:
called_computation_lowered:
.L_overlay_start_0:
0x88: {  	s2 =	sld [smem:$0x3FD9]  }
0x89: {  	s3 =	sld [smem:$0x3FFE];
	_ =	sdelay $0x1  }
0x8a: {  	s1 =	srdreg.scid  }
0x8b: {  	s0 =	sand.u32 $0x1, s1  }
0x8c: {  	s18 =	sshll.u32 s0, $0xA;
	s2 =	sadd.s32 s3, s2  }
0x8d: {  	s2 =	sadd.s32 s2, s18  }
0x8e: {  	[smem:$0x3FC5] =	sst s2  }
0x8f: {  	_ = 	snop  }
0x90: {  	s2 =	sld [smem:$0x3FC9]  }
0x91: {  	s19 =	sld [smem:$0x3FC8]  }
0x92: {  	s4 =	sld [smem:$0x3FC7]  }
0x93: {  	s5 =	sld [smem:$0x3FD0];
	(tm) =	ssettm $0x1  }
0x94: {  	s6 =	sld [smem:$0x3FFB];
	_ =	sdelay $0x3  }
0x95: {  	_ =	strace s6  }
0x96: {  	s6 =	sld [smem:$0x3FFC];
	_ =	sdelay $0x3  }
0x97: {  	_ =	strace s6  }
0x98: {  	s6 =	sld [smem:$0x3FFD];
	_ =	sdelay $0x3  }
0x99: {  	_ =	strace s6  }
0x9a: {  	_ =	strace $0x8FFFFFFF  }
0x9b: {  	s20 =	sld [smem:$0x3FDB];
	_ =	sdelay $0x1  }
0x9c: {  	s7 =	simm.s32 $_scs_section_size  }
0x9d: {  	s8 =	simm.s32 $_size__tile_overlayer_lowered;
	s9 =	simm.s32 $_tile_overlayer_lowered  }
0x9e: {  	s23 =	simm.s32 $0x1BFF;
	s22 =	sshll.u32 s9, $0x1;
	s6 =	sadd.s32 s7, s20  }
0x9f: {  	s10 =	simm.s32 $0x0;
	s21 =	sshll.u32 s8, $0x1;
	s8 =	sadd.s32 s22, s6  }
0xa0: {  	[timem:s10], [sflag:s23] =	dma.local [hbm:s8], s21  }
0xa1: {  	_ =	swait.ge [sflag:s23], s21  }
0xa2: {  	s7 =	ssub.s32 $0x0, s21;
	[sflag:s23] =	ssyncset.done $0x0  }
0xa3: {  	[sflag:s23] =	ssyncadd.s32 s7;
	_ =	sdelay $0x1  }
0xa4: {  	s24 =	simm.s32 $0x1B8B  }
0xa5: {  	_ =	swait.ge [sflag:s24], $0x1  }
0xa6: {  	[sflag:s24] =	ssyncset.done $0x0  }
0xa7: {  	s25 =	simm.s32 $0x1B8E;
	[sflag:s24] =	ssyncadd.s32 $0xFFFFFFFF  }
0xa8: {  	s26 =	simm.s32 $execute0_lowered;
	[smem:$0x3FD2] =	sst s25  }
0xa9: {  	s7 =	sshll.u32 s26, $0x1;
	_ =	strace $0x80000046;
	[dreg:$0x1] =	wrdreg $0xFFFFFFFF  }
0xaa: {  	s28 =	simm.s32 $_size_execute0_lowered;
	s6 =	sadd.s32 s6, s7;
	[dreg:$0x0] =	wrdreg $0x0  }
0xab: {  	s7 =	sshll.u32 s28, $0x1;
	[dreg:$0x2] =	wrdreg s6  }
0xac: {  	[dreg:$0x3] =	wrdreg s7  }
0xad: {  	[dreg:$0x4] =	wrdreg $0xC0  }
0xae: {  	_ =	task [dreg:s10], $0x5FFFF  }
0xaf: {  	[dreg:$0x1] =	wrdreg $0xFFFFFFFF  }
0xb0: {  	[dreg:$0x0] =	wrdreg $0x60  }
0xb1: {  	[dreg:$0x2] =	wrdreg s4  }
0xb2: {  	[dreg:$0x3] =	wrdreg s2  }
0xb3: {  	[dreg:$0x4] =	wrdreg s19  }
0xb4: {  	[dreg:$0x5] =	wrdreg s5  }
0xb5: {  	[dreg:$0x6] =	wrdreg $0x9  }
0xb6: {  	_ =	task.clear_ibuf [dreg:s10], $0x7FFFF;
	_ =	strace $0x90000046  }
0xb7: {  	s29 =	simm.s32 $0x9;
	_ =	strace $0x80000048  }
0xb8: {  	_ =	swait.ge [sflag:s29], $0x1  }
0xb9: {  	[sflag:s29] =	ssyncadd.s32 $0xFFFFFFFF  }
0xba: {  	_ =	strace $0x90000048  }
0xbb: {  	_ =	sfence  }
0xbc: {  	s30 =	sld [smem:$0x0];
	_ =	sdelay $0x2  }
0xbd: {  	s31 =	sshll.u32 s1, $0xD;
	s1 =	sshrl.u32 s1, $0x2  }
0xbe: {  	s3 =	sand.u32 $0x4000, s31;
	s1 =	sadd.s32 s1, s30  }
0xbf: {  	s0 =	sor.u32 s3, s0;
	s1 =	sshll.u32 s1, $0x11  }
0xc0: {  	s0 =	sor.u32 s1, s0  }
0xc1: {  	s0 =	sadd.s32 $0x8F2B, s0  }
0xc2: {  	[sflag:s0] =	ssyncadd.remote.s32 $0x1  }
0xc3: {  	_ =	sfence.sel $0xFFFF  }
0xc4: {  	[dreg:$0x0] =	wrdreg $0xFFFFFFFF;
	(pc) =	sbr.abs _section_cstart, $3  }
0xc5: {  	[dreg:$0x1] =	wrdreg $0xFFFFFFFF  }
0xc6: {  	_ =	task.clear_ibuf [dreg:s10], $0x2FFFF;
	_ =	strace $0x9FFFFFFF  }
0xc7: {  	(tm) =	ssettm $0x7FFFFFFF  }
tec
execute0_lowered:
.L_overlay_start_1:
0x0: {  	(tag) =	ssettag $0x1  }
0x1: {  	s1 =	rddreg [dreg:$0x0]  }
0x2: {  	s5 =	rddreg [dreg:$0x1]  }
0x3: {  	s3 =	rddreg [dreg:$0x2]  }
0x4: {  	s13 =	rddreg [dreg:$0x3]  }
0x5: {  	s0 =	rddreg [dreg:$0x4]  }
0x6: {  	s6 =	srdreg.scid;
	s2 =	stileid.u32  }
0x7: {  	s4 =	simm.s32 $0x0;
	s14 =	sand.u32 $0x1, s6;
	s29 =	sshll.u32 s2, $0x1  }
0x8: {  	[smem:$0x7FF] =	sst s4;
	s30 =	sshll.u32 s2, $0x2;
	s15 =	sor.u32 s14, s29  }
0x9: {  	_ =	strace $0x80000047;
	s6 =	sand.u32 $0x30, s30;
	s7 =	sshll.u32 s15, $0x8  }
0xa: {  	s6 =	sadd.s32 s5, s6;
	s5 =	simm.s32 $0x200;
	s7 =	sand.u32 $0x700, s7  }
0xb: {  	[tilespmem:s5], [sflag:$0x1] =	stream.linear.gather [hbm4b:s3+s4], $0x1, $0x38;
	[tilespmem:$0x10280] =	vst v63  }
0xc: {  	s8 =	simm.s32 $0x1;
	s6 =	sadd.s32 s7, s6;
	s7 =	simm.s32 $0x80  }
0xd: {  	[tilespmem:s4], [sflag:$0x2] =	stream.strided.gather [hbm4b:s6+s7], $0x200, s5, s7, $0x38;
	[tilespmem:$0x10280] =	vst v63  }
0xe: {  	_ =	swait.ge [sflag:s8], $0x1  }
0xf: {  	[sflag:s8] =	ssyncset.done $0x0  }
0x10: {  	s9 =	simm.s32 $0x2;
	[sflag:s8] =	ssyncadd.s32 $0xFFFFFFFF  }
0x11: {  	_ =	swait.ge [sflag:s9], $0x200  }
0x12: {  	[sflag:s9] =	ssyncset.done $0x0  }
0x13: {  	[sflag:s9] =	ssyncadd.s32 $0xFFFFFE00  }
0x14: {  	v0 =	vld [tilespmem:$0x200];
	_ =	sdelay $0x4  }
0x15: {  	(v2sf) =	vpush v0, $0x0;
	_ =	sdelay $0xe  }
0x16: {  	s10 =	spop (v2sf)  }
0x17: {  	s10 =	smul.u32 $0xC35000, s10;
	_ =	sdelay $0x1  }
0x18: {  	s12 =	sshrl.u32 s10, $0x3  }
0x19: {  	s11 =	simm.s32 $0x280;
	s10 =	simm.s32 $0x100;
	s16 =	sadd.s32 s1, s12  }
0x1a: {  	[tilespmem:s11], [sflag:$0x1] =	stream.indirect.gather [hbm4b:s16+s10], $0x80, s4, s10, $0xb8;
	[tilespmem:$0x10280] =	vst v63  }
0x1b: {  	s12 =	simm.s32 $0x8280  }
0x1c: {  	[tilespmem:s12], [sflag:$0x2] =	stream.indirect.gather [hbm4b:s16+s10], $0x80, s10, s10, $0xb8;
	[tilespmem:$0x10280] =	vst v63  }
0x1d: {  	_ =	swait.ge [sflag:s8], $0x8000  }
0x1e: {  	s31 =	ssub.s32 $0x2, s14;
	s15 =	sshll.u32 s15, $0xD;
	[sflag:s8] =	ssyncset.done $0x0  }
0x1f: {  	s17 =	sshrl.u32 s31, $0x1;
	s13 =	sadd.s32 s13, s15;
	[sflag:s8] =	ssyncadd.s32 $0xFFFF8000  }
0x20: {  	[hbm4b:s13+s4] =	stream.linear.scatter [tilespmem:s11], [sflag:$0x3], $0x8000, $0x38;
	[tilespmem:$0x10280] =	vst v63  }
0x21: {  	s16 =	ssub.s32 s31, s17;
	_ =	swait.ge [sflag:s9], $0x8000  }
0x22: {  	s15 =	simm.s32 $0x3;
	s17 =	smax.u32 s16, $0x1;
	[sflag:s9] =	ssyncset.done $0x0  }
0x23: {  	s14 =	sadd.s32 $0x1000, s13;
	p0 =	sne.s32 s17, $0x1;
	[sflag:s9] =	ssyncadd.s32 $0xFFFF8000  }
0x24: {  	[hbm4b:s14+s4] =	stream.linear.scatter [tilespmem:s12], [sflag:$0x4], $0x8000, $0x38;
	[tilespmem:$0x10280] =	vst v63  }
.Ltmp0:
0x25: {  	_ =	swait.ge [sflag:s15], $0x8000;
	(pc) =	sbr.rel @!p0 .LBB2_2-.Ltmp0, $4  }
0x26: {  	[sflag:s15] =	ssyncset.done $0x0  }
0x27: {  	s16 =	simm.s32 $0x4;
	[sflag:s15] =	ssyncadd.s32 $0xFFFF8000  }
0x28: {  	_ =	swait.ge [sflag:s16], $0x8000  }
0x29: {  	s17 =	sadd.s32 $0xFFFFFFFF, s17;
	[sflag:s16] =	ssyncset.done $0x0  }
.LBB2_1:
0x2a: {  	p0 =	sne.s32 s17, $0x1;
	s17 =	sadd.s32 $0xFFFFFFFF, s17;
	[sflag:s16] =	ssyncadd.s32 $0xFFFF8000  }
0x2b: {  	[tilespmem:s5], [sflag:$0x1] =	stream.linear.gather [hbm4b:s3+s4], $0x1, $0x38;
	[tilespmem:$0x10280] =	vst v63  }
0x2c: {  	_ = 	snop  }
0x2d: {  	[tilespmem:s4], [sflag:$0x2] =	stream.strided.gather [hbm4b:s6+s7], $0x200, s5, s7, $0x38;
	[tilespmem:$0x10280] =	vst v63  }
0x2e: {  	_ =	swait.ge [sflag:s8], $0x1  }
0x2f: {  	[sflag:s8] =	ssyncset.done $0x0  }
0x30: {  	[sflag:s8] =	ssyncadd.s32 $0xFFFFFFFF  }
0x31: {  	_ =	swait.ge [sflag:s9], $0x200  }
0x32: {  	[sflag:s9] =	ssyncset.done $0x0  }
0x33: {  	[sflag:s9] =	ssyncadd.s32 $0xFFFFFE00  }
0x34: {  	v0 =	vld [tilespmem:$0x200];
	_ =	sdelay $0x4  }
0x35: {  	(v2sf) =	vpush v0, $0x0;
	_ =	sdelay $0xe  }
0x36: {  	s18 =	spop (v2sf)  }
0x37: {  	s18 =	smul.u32 $0xC35000, s18;
	_ =	sdelay $0x1  }
0x38: {  	s18 =	sshrl.u32 s18, $0x3  }
0x39: {  	s18 =	sadd.s32 s1, s18  }
0x3a: {  	[tilespmem:s11], [sflag:$0x1] =	stream.indirect.gather [hbm4b:s18+s10], $0x80, s4, s10, $0xb8;
	[tilespmem:$0x10280] =	vst v63  }
0x3b: {  	_ = 	snop  }
0x3c: {  	[tilespmem:s12], [sflag:$0x2] =	stream.indirect.gather [hbm4b:s18+s10], $0x80, s10, s10, $0xb8;
	[tilespmem:$0x10280] =	vst v63  }
0x3d: {  	_ =	swait.ge [sflag:s8], $0x8000  }
0x3e: {  	[sflag:s8] =	ssyncset.done $0x0  }
0x3f: {  	[sflag:s8] =	ssyncadd.s32 $0xFFFF8000  }
0x40: {  	[hbm4b:s13+s4] =	stream.linear.scatter [tilespmem:s11], [sflag:$0x3], $0x8000, $0x38;
	[tilespmem:$0x10280] =	vst v63  }
0x41: {  	_ =	swait.ge [sflag:s9], $0x8000  }
0x42: {  	[sflag:s9] =	ssyncset.done $0x0  }
0x43: {  	[sflag:s9] =	ssyncadd.s32 $0xFFFF8000  }
0x44: {  	[hbm4b:s14+s4] =	stream.linear.scatter [tilespmem:s12], [sflag:$0x4], $0x8000, $0x38;
	[tilespmem:$0x10280] =	vst v63  }
.Ltmp1:
0x45: {  	_ =	swait.ge [sflag:s15], $0x8000;
	(pc) =	sbr.rel @p0 .LBB2_1-.Ltmp1, $4  }
0x46: {  	[sflag:s15] =	ssyncset.done $0x0  }
0x47: {  	[sflag:s15] =	ssyncadd.s32 $0xFFFF8000  }
0x48: {  	_ =	swait.ge [sflag:s16], $0x8000  }
0x49: {  	[sflag:s16] =	ssyncset.done $0x0  }
.LBB2_2:
0x4a: {  	[sflag:s16] =	ssyncadd.s32 $0xFFFF8000  }
0x4b: {  	_ =	sfence.sel $0x180000  }
0x4c: {  	[bflag:$0x0] =	sbarrier.arrive $0xFFFF  }
0x4d: {  	p0 =	sne.s32 s2, $0x0;
	_ =	strace $0x90000047  }
0x4e: {  	s0 =	sadd.s32 @!p0 $0x100000, s0;
	[bflag:$0x2] =	sbarrier.arrive $0xFFFF  }
0x4f: {  	[sflag:s0] =	ssyncadd.tile.s32 @!p0 $0x1;
	_ =	shalt  }
.Lfunc_end2:
_tile_overlayer_lowered:
.L_overlay_start_2:
0x50: {  	(tag) =	ssettag $0x2  }
0x51: {  	s0 =	rddreg [dreg:$0x0];
	s2 =	stileid.u32  }
0x52: {  	s1 =	rddreg [dreg:$0x1];
	p0 =	sne.s32 s2, $0x0  }
0x53: {  	s3 =	rddreg [dreg:$0x2];
	[bflag:$0x3] =	sbarrier.arrive $0xFFFF;
	s2 =	simm.s32 @!p0 $0x1C05  }
0x54: {  	[timem:s3], [sflag:s2] =	dma.local @!p0 [hbm:s0], s1  }
0x55: {  	s0 =	simm.s32 @!p0 $0x5  }
0x56: {  	_ =	swait.ge @!p0 [sflag:s0], s1  }
0x57: {  	s1 =	ssub.s32 @!p0 $0x0, s1;
	[sflag:s0] =	ssyncset.done @!p0 $0x0  }
0x58: {  	[sflag:s0] =	ssyncadd.s32 @!p0 s1  }
0x59: {  	[bflag:$0x3] =	sbarrier.arrive $0xFFFF  }
0x5a: {  	_ =	shalt  }

</sc_bundles>
